<compile_context>
chip_gen: v7x
topology: tpu7x:2x2x1
jax: 0.10.2.dev20260603
libtpu: 0.0.44.dev20260713+nightly
codegen_flags: <defaults>
</compile_context>

<pallas_src>
import functools

import jax
import jax.numpy as jnp
from jax import lax
from jax.experimental import pallas as pl
from jax.experimental.pallas import tpu as pltpu
from jax.experimental.pallas import tpu_sc as plsc

EMBEDDING_DIM = 128
MAX_LEAD_TIME = 72
BATCH = 16384
LANES = 16
OUT_CHUNK = 128


def kernel(lead_times, pe):
    info = plsc.get_sparse_core_info()
    num_cores, num_subcores = info.num_cores, info.num_subcores
    num_workers = num_cores * num_subcores
    b_per_w = BATCH // num_workers
    n_chunks = b_per_w // OUT_CHUNK
    vregs_per_row = EMBEDDING_DIM // LANES

    mesh = plsc.VectorSubcoreMesh(core_axis_name="c", subcore_axis_name="s")

    @functools.partial(
        pl.kernel,
        mesh=mesh,
        out_type=jax.ShapeDtypeStruct((BATCH, EMBEDDING_DIM), jnp.float32),
        scratch_types=[
            pltpu.VMEM((MAX_LEAD_TIME + 1, EMBEDDING_DIM), jnp.float32),
            pltpu.VMEM((b_per_w, EMBEDDING_DIM), jnp.float32),
            pltpu.VMEM((b_per_w + LANES,), jnp.int32),
            pltpu.SemaphoreType.DMA,
            pltpu.SemaphoreType.DMA,
        ],
    )
    def emb_kernel(
        lt_hbm, pe_hbm, out_hbm, pe_v, rows_v, idx_v, sem_in, sem_out
    ):
        wid = lax.axis_index("c") * num_subcores + lax.axis_index("s")
        base = wid * b_per_w
        cp_tab = pltpu.async_copy(pe_hbm, pe_v, sem_in)
        pltpu.sync_copy(lt_hbm.at[pl.ds(base, b_per_w)], idx_v.at[pl.ds(0, b_per_w)])
        cp_tab.wait()

        @plsc.parallel_loop(0, b_per_w // LANES)
        def _(g):
            v = idx_v[pl.ds(g * LANES, LANES)]
            idx_v[pl.ds(g * LANES, LANES)] = jnp.minimum(
                jnp.maximum(v, 0), MAX_LEAD_TIME
            )

        def chunk_body(c, carry):
            @plsc.parallel_loop(0, OUT_CHUNK, unroll=8)
            def _(b):
                row = c * OUT_CHUNK + b
                r = idx_v[pl.ds(row, LANES)][0]
                for j in range(vregs_per_row):
                    rows_v[row, pl.ds(j * LANES, LANES)] = pe_v[
                        r, pl.ds(j * LANES, LANES)
                    ]

            pltpu.async_copy(
                rows_v.at[pl.ds(c * OUT_CHUNK, OUT_CHUNK)],
                out_hbm.at[pl.ds(base + c * OUT_CHUNK, OUT_CHUNK)],
                sem_out,
            )
            return carry

        lax.fori_loop(0, n_chunks, chunk_body, 0)
        pltpu.make_async_copy(
            out_hbm.at[pl.ds(base, b_per_w)], rows_v, sem_out
        ).wait()

    if lead_times.dtype != jnp.int32:
        lead_times = lead_times.astype(jnp.int32)
    return emb_kernel(lead_times, pe)

# --- scband reference (transcript-rebuilt; emitter-appended) ---
"""Pipeline reference for scband-lead-time-embedding-13529146982450 (READ-ONLY COPY).

The authoritative reference and input builder live on the scoring server;
editing this copy changes nothing except your own understanding.
"""

import jax, jax.numpy as jnp
import numpy as np
import math

EMBEDDING_DIM = 128
MAX_LEAD_TIME = 72
BATCH = 16384

def _build_pe():
    position = jnp.arange(0, MAX_LEAD_TIME + 1, dtype=jnp.float32)[:, None]
    div_term = jnp.exp(jnp.arange(0, EMBEDDING_DIM, 2, dtype=jnp.float32) * (-math.log(10000.0) / EMBEDDING_DIM))
    pe = jnp.zeros((MAX_LEAD_TIME + 1, EMBEDDING_DIM), dtype=jnp.float32)
    pe = pe.at[:, 0::2].set(jnp.sin(position * div_term))
    pe = pe.at[:, 1::2].set(jnp.cos(position * div_term))
    return pe

def setup_inputs(seed: int = 0) -> dict:
    key = jax.random.key(seed)
    lead_times = jax.random.randint(key, (BATCH,), 0, 73)
    pe = _build_pe()
    return {"lead_times": lead_times, "pe": pe}

def reference(lead_times, pe):
    lt = jnp.clip(lead_times, 0, MAX_LEAD_TIME).astype(jnp.int32)
    return jnp.take(pe, lt, axis=0)

if __name__ == "__main__":
    import jax
    _d = setup_inputs()
    print(jax.jit(kernel)(*tuple(_d.values())))

</pallas_src>

<mosaic_0001>
#map = affine_map<(d0, d1) -> (0)>
#map1 = affine_map<(d0, d1) -> (0, 0)>
module attributes {stable_mosaic.version = 14 : i64} {
  func.func @emb_kernel(%arg0: i32, %arg1: i32, %arg2: memref<16384xi32, #tpu.memory_space<hbm>>, %arg3: memref<73x128xf32, #tpu.memory_space<hbm>>, %arg4: memref<16384x128xf32, #tpu.memory_space<hbm>>, %arg5: memref<73x128xf32, #tpu.memory_space<vmem>>, %arg6: memref<512x128xf32, #tpu.memory_space<vmem>>, %arg7: memref<528xi32, #tpu.memory_space<vmem>>, %arg8: memref<!tpu.dma_semaphore, #tpu.memory_space<semaphore_mem>>, %arg9: memref<!tpu.dma_semaphore, #tpu.memory_space<semaphore_mem>>) attributes {dimension_semantics = [#tpu.dimension_semantics<core_parallel>, #tpu.dimension_semantics<subcore_parallel>], iteration_bounds = array<i64: 2, 16>, scalar_prefetch = 0 : i64, scratch_operands = 5 : i64, tpu.core_type = #tpu.core_type<sc_vector_subcore>, window_params = [{transform_indices = #map}, {transform_indices = #map1}, {transform_indices = #map1}]} {
    %mul3A = arith.constant 16 : i32
    %mul3A_0 = arith.muli %arg0, %mul3A : i32
    %add3A = arith.addi %mul3A_0, %arg1 : i32
    %mul3A_1 = arith.constant 512 : i32
    %mul3A_2 = arith.muli %add3A, %mul3A_1 : i32
    tpu.enqueue_dma source(%arg3 : memref<73x128xf32, #tpu.memory_space<hbm>>) target(%arg5 : memref<73x128xf32, #tpu.memory_space<vmem>>) target_semaphore(%arg8 : memref<!tpu.dma_semaphore, #tpu.memory_space<semaphore_mem>>)
    "tpu.region"() ({
      %run_scoped3A = tpu.sem_alloc : memref<!tpu.dma_semaphore, #tpu.memory_space<semaphore_mem>>
      %dma_start3A = arith.constant 0 : i32
      %dma_start3A_13 = tpu.memref_slice %arg7[%dma_start3A] : memref<528xi32, #tpu.memory_space<vmem>> -> memref<512xi32, #tpu.memory_space<vmem>>
      %dma_start3A_14 = tpu.memref_slice %arg2[%mul3A_2] : memref<16384xi32, #tpu.memory_space<hbm>> -> memref<512xi32, #tpu.memory_space<hbm>>
      %dma_start3A_15 = arith.constant 0 : i32
      %dma_start3A_16 = tpu.memref_slice %arg7[%dma_start3A_15] : memref<528xi32, #tpu.memory_space<vmem>> -> memref<512xi32, #tpu.memory_space<vmem>>
      %dma_start3A_17 = tpu.memref_slice %arg2[%mul3A_2] : memref<16384xi32, #tpu.memory_space<hbm>> -> memref<512xi32, #tpu.memory_space<hbm>>
      tpu.enqueue_dma source(%dma_start3A_17 : memref<512xi32, #tpu.memory_space<hbm>>) target(%dma_start3A_16 : memref<512xi32, #tpu.memory_space<vmem>>) target_semaphore(%run_scoped3A : memref<!tpu.dma_semaphore, #tpu.memory_space<semaphore_mem>>)
      %dma_wait3A_18 = arith.constant 0 : i32
      %dma_wait3A_19 = tpu.memref_slice %arg7[%dma_wait3A_18] : memref<528xi32, #tpu.memory_space<vmem>> -> memref<512xi32, #tpu.memory_space<vmem>>
      %dma_wait3A_20 = tpu.memref_slice %arg2[%mul3A_2] : memref<16384xi32, #tpu.memory_space<hbm>> -> memref<512xi32, #tpu.memory_space<hbm>>
      %dma_wait3A_21 = arith.constant 0 : i32
      %dma_wait3A_22 = tpu.memref_slice %arg7[%dma_wait3A_21] : memref<528xi32, #tpu.memory_space<vmem>> -> memref<512xi32, #tpu.memory_space<vmem>>
      %dma_wait3A_23 = tpu.memref_slice %arg2[%mul3A_2] : memref<16384xi32, #tpu.memory_space<hbm>> -> memref<512xi32, #tpu.memory_space<hbm>>
      tpu.wait_dma2 semaphore(%run_scoped3A : memref<!tpu.dma_semaphore, #tpu.memory_space<semaphore_mem>>) src(%dma_wait3A_23 : memref<512xi32, #tpu.memory_space<hbm>>) dst(%dma_wait3A_22 : memref<512xi32, #tpu.memory_space<vmem>>)
      tpu.yield
    }) : () -> ()
    tpu.wait_dma2 semaphore(%arg8 : memref<!tpu.dma_semaphore, #tpu.memory_space<semaphore_mem>>) src(%arg3 : memref<73x128xf32, #tpu.memory_space<hbm>>) dst(%arg5 : memref<73x128xf32, #tpu.memory_space<vmem>>)
    %parallel_loop3A = arith.constant 0 : i32
    %parallel_loop3A_3 = arith.constant 32 : i32
    %parallel_loop3A_4 = arith.constant 1 : i32
    scf.for %parallel_loop3A_13 = %parallel_loop3A to %parallel_loop3A_3 step %parallel_loop3A_4  : i32 {
      %parallel_loop3A_14 = arith.constant 16 : i32
      %parallel_loop3A_15 = arith.muli %parallel_loop3A_13, %parallel_loop3A_14 : i32
      %parallel_loop3A_16 = arith.index_cast %parallel_loop3A_15 : i32 to index
      %parallel_loop3A_17 = tpu.vector_load %arg7[%parallel_loop3A_16] {strides = array<i32>} : memref<528xi32, #tpu.memory_space<vmem>>, vector<16xi32>,
      %parallel_loop3A_18 = vector.shape_cast %parallel_loop3A_17 : vector<16xi32> to vector<16xi32>
      %parallel_loop3A_19 = arith.constant 0 : i32
      %parallel_loop3A_20 = vector.broadcast %parallel_loop3A_19 : i32 to vector<16xi32>
      %parallel_loop3A_21 = arith.maxsi %parallel_loop3A_18, %parallel_loop3A_20 : vector<16xi32>
      %parallel_loop3A_22 = arith.constant 72 : i32
      %parallel_loop3A_23 = vector.broadcast %parallel_loop3A_22 : i32 to vector<16xi32>
      %parallel_loop3A_24 = arith.minsi %parallel_loop3A_21, %parallel_loop3A_23 : vector<16xi32>
      %parallel_loop3A_25 = arith.constant 16 : i32
      %parallel_loop3A_26 = arith.muli %parallel_loop3A_13, %parallel_loop3A_25 : i32
      %parallel_loop3A_27 = arith.index_cast %parallel_loop3A_26 : i32 to index
      %parallel_loop3A_28 = tpu.vector_load %arg7[%parallel_loop3A_27] {strides = array<i32>} : memref<528xi32, #tpu.memory_space<vmem>>, vector<16xi32>,
      %parallel_loop3A_29 = vector.shape_cast %parallel_loop3A_28 : vector<16xi32> to vector<16xi32>
      %parallel_loop3A_30 = vector.shape_cast %parallel_loop3A_24 : vector<16xi32> to vector<16xi32>
      tpu.vector_store %arg7[%parallel_loop3A_27], %parallel_loop3A_30 {strides = array<i32>} : memref<528xi32, #tpu.memory_space<vmem>>, vector<16xi32>,
    } {sc.loop_unroll_factor = 1 : i64, sc.parallel_access}
    %scan3A = arith.constant 0 : i32
    %scan3A_5 = arith.constant 0 : i32
    %scan3A_6 = arith.constant 4 : i32
    %scan3A_7 = arith.addi %scan3A_5, %scan3A_6 : i32
    %scan3A_8 = arith.constant 1 : i32
    scf.for %scan3A_13 = %scan3A_5 to %scan3A_7 step %scan3A_8  : i32 {
      %parallel_loop3A_14 = arith.constant 0 : i32
      %parallel_loop3A_15 = arith.constant 128 : i32
      %parallel_loop3A_16 = arith.constant 1 : i32
      scf.for %parallel_loop3A_29 = %parallel_loop3A_14 to %parallel_loop3A_15 step %parallel_loop3A_16  : i32 {
        %parallel_loop3A_30 = arith.constant 128 : i32
        %parallel_loop3A_31 = arith.muli %scan3A_13, %parallel_loop3A_30 : i32
        %parallel_loop3A_32 = arith.addi %parallel_loop3A_31, %parallel_loop3A_29 : i32
        %parallel_loop3A_33 = arith.index_cast %parallel_loop3A_32 : i32 to index
        %parallel_loop3A_34 = tpu.vector_load %arg7[%parallel_loop3A_33] {strides = array<i32>} : memref<528xi32, #tpu.memory_space<vmem>>, vector<16xi32>,
        %parallel_loop3A_35 = vector.shape_cast %parallel_loop3A_34 : vector<16xi32> to vector<16xi32>
        %parallel_loop3A_36 = vector.extract_strided_slice %parallel_loop3A_35 {offsets = [0], sizes = [1], strides = [1]} : vector<16xi32> to vector<1xi32>
        %parallel_loop3A_37 = vector.extract %parallel_loop3A_36[0] : i32 from vector<1xi32>
        %parallel_loop3A_38 = arith.index_cast %parallel_loop3A_37 : i32 to index
        %parallel_loop3A_39 = arith.constant 0 : index
        %parallel_loop3A_40 = tpu.vector_load %arg5[%parallel_loop3A_38, %parallel_loop3A_39] {strides = array<i32>} : memref<73x128xf32, #tpu.memory_space<vmem>>, vector<1x16xf32>,
        %parallel_loop3A_41 = vector.shape_cast %parallel_loop3A_40 : vector<1x16xf32> to vector<16xf32>
        %parallel_loop3A_42 = arith.index_cast %parallel_loop3A_32 : i32 to index
        %parallel_loop3A_43 = arith.constant 0 : index
        %parallel_loop3A_44 = tpu.vector_load %arg6[%parallel_loop3A_42, %parallel_loop3A_43] {strides = array<i32>} : memref<512x128xf32, #tpu.memory_space<vmem>>, vector<1x16xf32>,
        %parallel_loop3A_45 = vector.shape_cast %parallel_loop3A_44 : vector<1x16xf32> to vector<16xf32>
        %parallel_loop3A_46 = vector.shape_cast %parallel_loop3A_41 : vector<16xf32> to vector<1x16xf32>
        tpu.vector_store %arg6[%parallel_loop3A_42, %parallel_loop3A_43], %parallel_loop3A_46 {strides = array<i32>} : memref<512x128xf32, #tpu.memory_space<vmem>>, vector<1x16xf32>,
        %parallel_loop3A_47 = arith.index_cast %parallel_loop3A_37 : i32 to index
        %parallel_loop3A_48 = arith.constant 16 : index
        %parallel_loop3A_49 = tpu.vector_load %arg5[%parallel_loop3A_47, %parallel_loop3A_48] {strides = array<i32>} : memref<73x128xf32, #tpu.memory_space<vmem>>, vector<1x16xf32>,
        %parallel_loop3A_50 = vector.shape_cast %parallel_loop3A_49 : vector<1x16xf32> to vector<16xf32>
        %parallel_loop3A_51 = arith.index_cast %parallel_loop3A_32 : i32 to index
        %parallel_loop3A_52 = arith.constant 16 : index
        %parallel_loop3A_53 = tpu.vector_load %arg6[%parallel_loop3A_51, %parallel_loop3A_52] {strides = array<i32>} : memref<512x128xf32, #tpu.memory_space<vmem>>, vector<1x16xf32>,
        %parallel_loop3A_54 = vector.shape_cast %parallel_loop3A_53 : vector<1x16xf32> to vector<16xf32>
        %parallel_loop3A_55 = vector.shape_cast %parallel_loop3A_50 : vector<16xf32> to vector<1x16xf32>
        tpu.vector_store %arg6[%parallel_loop3A_51, %parallel_loop3A_52], %parallel_loop3A_55 {strides = array<i32>} : memref<512x128xf32, #tpu.memory_space<vmem>>, vector<1x16xf32>,
        %parallel_loop3A_56 = arith.index_cast %parallel_loop3A_37 : i32 to index
        %parallel_loop3A_57 = arith.constant 32 : index
        %parallel_loop3A_58 = tpu.vector_load %arg5[%parallel_loop3A_56, %parallel_loop3A_57] {strides = array<i32>} : memref<73x128xf32, #tpu.memory_space<vmem>>, vector<1x16xf32>,
        %parallel_loop3A_59 = vector.shape_cast %parallel_loop3A_58 : vector<1x16xf32> to vector<16xf32>
        %parallel_loop3A_60 = arith.index_cast %parallel_loop3A_32 : i32 to index
        %parallel_loop3A_61 = arith.constant 32 : index
        %parallel_loop3A_62 = tpu.vector_load %arg6[%parallel_loop3A_60, %parallel_loop3A_61] {strides = array<i32>} : memref<512x128xf32, #tpu.memory_space<vmem>>, vector<1x16xf32>,
        %parallel_loop3A_63 = vector.shape_cast %parallel_loop3A_62 : vector<1x16xf32> to vector<16xf32>
        %parallel_loop3A_64 = vector.shape_cast %parallel_loop3A_59 : vector<16xf32> to vector<1x16xf32>
        tpu.vector_store %arg6[%parallel_loop3A_60, %parallel_loop3A_61], %parallel_loop3A_64 {strides = array<i32>} : memref<512x128xf32, #tpu.memory_space<vmem>>, vector<1x16xf32>,
        %parallel_loop3A_65 = arith.index_cast %parallel_loop3A_37 : i32 to index
        %parallel_loop3A_66 = arith.constant 48 : index
        %parallel_loop3A_67 = tpu.vector_load %arg5[%parallel_loop3A_65, %parallel_loop3A_66] {strides = array<i32>} : memref<73x128xf32, #tpu.memory_space<vmem>>, vector<1x16xf32>,
        %parallel_loop3A_68 = vector.shape_cast %parallel_loop3A_67 : vector<1x16xf32> to vector<16xf32>
        %parallel_loop3A_69 = arith.index_cast %parallel_loop3A_32 : i32 to index
        %parallel_loop3A_70 = arith.constant 48 : index
        %parallel_loop3A_71 = tpu.vector_load %arg6[%parallel_loop3A_69, %parallel_loop3A_70] {strides = array<i32>} : memref<512x128xf32, #tpu.memory_space<vmem>>, vector<1x16xf32>,
        %parallel_loop3A_72 = vector.shape_cast %parallel_loop3A_71 : vector<1x16xf32> to vector<16xf32>
        %parallel_loop3A_73 = vector.shape_cast %parallel_loop3A_68 : vector<16xf32> to vector<1x16xf32>
        tpu.vector_store %arg6[%parallel_loop3A_69, %parallel_loop3A_70], %parallel_loop3A_73 {strides = array<i32>} : memref<512x128xf32, #tpu.memory_space<vmem>>, vector<1x16xf32>,
        %parallel_loop3A_74 = arith.index_cast %parallel_loop3A_37 : i32 to index
        %parallel_loop3A_75 = arith.constant 64 : index
        %parallel_loop3A_76 = tpu.vector_load %arg5[%parallel_loop3A_74, %parallel_loop3A_75] {strides = array<i32>} : memref<73x128xf32, #tpu.memory_space<vmem>>, vector<1x16xf32>,
        %parallel_loop3A_77 = vector.shape_cast %parallel_loop3A_76 : vector<1x16xf32> to vector<16xf32>
        %parallel_loop3A_78 = arith.index_cast %parallel_loop3A_32 : i32 to index
        %parallel_loop3A_79 = arith.constant 64 : index
        %parallel_loop3A_80 = tpu.vector_load %arg6[%parallel_loop3A_78, %parallel_loop3A_79] {strides = array<i32>} : memref<512x128xf32, #tpu.memory_space<vmem>>, vector<1x16xf32>,
        %parallel_loop3A_81 = vector.shape_cast %parallel_loop3A_80 : vector<1x16xf32> to vector<16xf32>
        %parallel_loop3A_82 = vector.shape_cast %parallel_loop3A_77 : vector<16xf32> to vector<1x16xf32>
        tpu.vector_store %arg6[%parallel_loop3A_78, %parallel_loop3A_79], %parallel_loop3A_82 {strides = array<i32>} : memref<512x128xf32, #tpu.memory_space<vmem>>, vector<1x16xf32>,
        %parallel_loop3A_83 = arith.index_cast %parallel_loop3A_37 : i32 to index
        %parallel_loop3A_84 = arith.constant 80 : index
        %parallel_loop3A_85 = tpu.vector_load %arg5[%parallel_loop3A_83, %parallel_loop3A_84] {strides = array<i32>} : memref<73x128xf32, #tpu.memory_space<vmem>>, vector<1x16xf32>,
        %parallel_loop3A_86 = vector.shape_cast %parallel_loop3A_85 : vector<1x16xf32> to vector<16xf32>
        %parallel_loop3A_87 = arith.index_cast %parallel_loop3A_32 : i32 to index
        %parallel_loop3A_88 = arith.constant 80 : index
        %parallel_loop3A_89 = tpu.vector_load %arg6[%parallel_loop3A_87, %parallel_loop3A_88] {strides = array<i32>} : memref<512x128xf32, #tpu.memory_space<vmem>>, vector<1x16xf32>,
        %parallel_loop3A_90 = vector.shape_cast %parallel_loop3A_89 : vector<1x16xf32> to vector<16xf32>
        %parallel_loop3A_91 = vector.shape_cast %parallel_loop3A_86 : vector<16xf32> to vector<1x16xf32>
        tpu.vector_store %arg6[%parallel_loop3A_87, %parallel_loop3A_88], %parallel_loop3A_91 {strides = array<i32>} : memref<512x128xf32, #tpu.memory_space<vmem>>, vector<1x16xf32>,
        %parallel_loop3A_92 = arith.index_cast %parallel_loop3A_37 : i32 to index
        %parallel_loop3A_93 = arith.constant 96 : index
        %parallel_loop3A_94 = tpu.vector_load %arg5[%parallel_loop3A_92, %parallel_loop3A_93] {strides = array<i32>} : memref<73x128xf32, #tpu.memory_space<vmem>>, vector<1x16xf32>,
        %parallel_loop3A_95 = vector.shape_cast %parallel_loop3A_94 : vector<1x16xf32> to vector<16xf32>
        %parallel_loop3A_96 = arith.index_cast %parallel_loop3A_32 : i32 to index
        %parallel_loop3A_97 = arith.constant 96 : index
        %parallel_loop3A_98 = tpu.vector_load %arg6[%parallel_loop3A_96, %parallel_loop3A_97] {strides = array<i32>} : memref<512x128xf32, #tpu.memory_space<vmem>>, vector<1x16xf32>,
        %parallel_loop3A_99 = vector.shape_cast %parallel_loop3A_98 : vector<1x16xf32> to vector<16xf32>
        %parallel_loop3A_100 = vector.shape_cast %parallel_loop3A_95 : vector<16xf32> to vector<1x16xf32>
        tpu.vector_store %arg6[%parallel_loop3A_96, %parallel_loop3A_97], %parallel_loop3A_100 {strides = array<i32>} : memref<512x128xf32, #tpu.memory_space<vmem>>, vector<1x16xf32>,
        %parallel_loop3A_101 = arith.index_cast %parallel_loop3A_37 : i32 to index
        %parallel_loop3A_102 = arith.constant 112 : index
        %parallel_loop3A_103 = tpu.vector_load %arg5[%parallel_loop3A_101, %parallel_loop3A_102] {strides = array<i32>} : memref<73x128xf32, #tpu.memory_space<vmem>>, vector<1x16xf32>,
        %parallel_loop3A_104 = vector.shape_cast %parallel_loop3A_103 : vector<1x16xf32> to vector<16xf32>
        %parallel_loop3A_105 = arith.index_cast %parallel_loop3A_32 : i32 to index
        %parallel_loop3A_106 = arith.constant 112 : index
        %parallel_loop3A_107 = tpu.vector_load %arg6[%parallel_loop3A_105, %parallel_loop3A_106] {strides = array<i32>} : memref<512x128xf32, #tpu.memory_space<vmem>>, vector<1x16xf32>,
        %parallel_loop3A_108 = vector.shape_cast %parallel_loop3A_107 : vector<1x16xf32> to vector<16xf32>
        %parallel_loop3A_109 = vector.shape_cast %parallel_loop3A_104 : vector<16xf32> to vector<1x16xf32>
        tpu.vector_store %arg6[%parallel_loop3A_105, %parallel_loop3A_106], %parallel_loop3A_109 {strides = array<i32>} : memref<512x128xf32, #tpu.memory_space<vmem>>, vector<1x16xf32>,
      } {sc.loop_unroll_factor = 8 : i64, sc.parallel_access}
      %mul3A_17 = arith.constant 128 : i32
      %mul3A_18 = arith.muli %scan3A_13, %mul3A_17 : i32
      %mul3A_19 = arith.constant 128 : i32
      %mul3A_20 = arith.muli %scan3A_13, %mul3A_19 : i32
      %add3A_21 = arith.addi %mul3A_2, %mul3A_20 : i32
      %dma_start3A = arith.constant 0 : i32
      %dma_start3A_22 = tpu.memref_slice %arg6[%mul3A_18, %dma_start3A] : memref<512x128xf32, #tpu.memory_space<vmem>> -> memref<128x128xf32, #tpu.memory_space<vmem>>
      %dma_start3A_23 = arith.constant 0 : i32
      %dma_start3A_24 = tpu.memref_slice %arg4[%add3A_21, %dma_start3A_23] : memref<16384x128xf32, #tpu.memory_space<hbm>> -> memref<128x128xf32, #tpu.memory_space<hbm>>
      %dma_start3A_25 = arith.constant 0 : i32
      %dma_start3A_26 = tpu.memref_slice %arg4[%add3A_21, %dma_start3A_25] : memref<16384x128xf32, #tpu.memory_space<hbm>> -> memref<128x128xf32, #tpu.memory_space<hbm>>
      %dma_start3A_27 = arith.constant 0 : i32
      %dma_start3A_28 = tpu.memref_slice %arg6[%mul3A_18, %dma_start3A_27] : memref<512x128xf32, #tpu.memory_space<vmem>> -> memref<128x128xf32, #tpu.memory_space<vmem>>
      tpu.enqueue_dma source(%dma_start3A_28 : memref<128x128xf32, #tpu.memory_space<vmem>>) target(%dma_start3A_26 : memref<128x128xf32, #tpu.memory_space<hbm>>) target_semaphore(%arg9 : memref<!tpu.dma_semaphore, #tpu.memory_space<semaphore_mem>>)
    }
    %scan3A_9 = arith.constant 4 : i32
    %dma_wait3A = arith.constant 0 : i32
    %dma_wait3A_10 = tpu.memref_slice %arg4[%mul3A_2, %dma_wait3A] : memref<16384x128xf32, #tpu.memory_space<hbm>> -> memref<512x128xf32, #tpu.memory_space<hbm>>
    %dma_wait3A_11 = arith.constant 0 : i32
    %dma_wait3A_12 = tpu.memref_slice %arg4[%mul3A_2, %dma_wait3A_11] : memref<16384x128xf32, #tpu.memory_space<hbm>> -> memref<512x128xf32, #tpu.memory_space<hbm>>
    tpu.wait_dma2 semaphore(%arg9 : memref<!tpu.dma_semaphore, #tpu.memory_space<semaphore_mem>>) src(%dma_wait3A_12 : memref<512x128xf32, #tpu.memory_space<hbm>>) dst(%arg6 : memref<512x128xf32, #tpu.memory_space<vmem>>)
    return
  }
}

</mosaic_0001>

<sc_bundles>
// kernel: kernel.3.cloned.1.call-start
scs
__scs_entry_jumppad:
0x0: {  	(pc) =	sbr.rel $0x88, $3  }
0x1: {  	(tag) =	ssettag $0x0;
	lr =	simm.s32 $0x1  }
0x2: {  	[smem:$0x3F9F] =	sst lr;
	_ =	strace $0xD0000000  }
0x3: {  	_ = 	snop  }
0x4: {  	_ = 	snop  }
0x5: {  	_ = 	snop  }
0x6: {  	_ = 	snop  }
0x7: {  	_ = 	snop  }
__scs_overlays_trampoline_lowered:
0x8: {  	[smem:$0x3FAE] =	sst s0  }
0x9: {  	[smem:$0x3FAF] =	sst s1  }
0xa: {  	[smem:$0x3FB0] =	sst s2  }
0xb: {  	[smem:$0x3FB1] =	sst s3  }
0xc: {  	[smem:$0x3FB2] =	sst s4  }
0xd: {  	[smem:$0x3FB3] =	sst s5  }
0xe: {  	[smem:$0x3FB4] =	sst s6  }
0xf: {  	[smem:$0x3FB5] =	sst s7  }
0x10: {  	[smem:$0x3FB6] =	sst s8  }
0x11: {  	[smem:$0x3FB7] =	sst s9;
	s0 =	simm.s32 @!p0 $0x0  }
0x12: {  	s1 =	sld [smem:$0x3F9D];
	s0 =	simm.s32 @p0 $0x1  }
0x13: {  	[smem:$0x3FB8] =	sst s0;
	s0 =	simm.s32 @!p1 $0x0  }
0x14: {  	s2 =	sld [smem:$0x3F9C];
	s0 =	simm.s32 @p1 $0x1  }
0x15: {  	[smem:$0x3FB9] =	sst s0;
	s0 =	simm.s32 @!p2 $0x0  }
0x16: {  	s3 =	sld [smem:$0x3FDB];
	s0 =	simm.s32 @p2 $0x1  }
0x17: {  	s4 =	simm.s32 $0x1BF5;
	[smem:$0x3FBB] =	sst s0  }
0x18: {  	s0 =	sld [smem:$0x3F9E];
	_ =	swait.ge [sflag:s4], $0x0  }
0x19: {  	s7 =	sld [smem:$0x3F9F]  }
0x1a: {  	s8 =	sadd.s32 $0xFFFFE003, lr  }
0x1b: {  	s9 =	sadd.s32 $0xFFFFFEF7, lr;
	s5 =	simm.s32 $0xFFFFFFFF;
	p2 =	slt.u32 s8, $0xFFFFF086  }
0x1c: {  	p1 =	slt.u32 s9, $0xF7A;
	s5 =	simm.s32 @!p2 $0x0  }
0x1d: {  	s5 =	simm.s32 @p1 $0x1;
	p0 =	seq.s32 s7, s2  }
0x1e: {  	s7 =	smul.u32 @!p0 $0xF7A, s2;
	p2 =	seq.s32 @!p0 s5, $0x0  }
0x1f: {  	s9 =	smul.u32 $0xF7A, s1;
	s8 =	simm.s32 @!p0 $0x1BF5;
	p2 =	por !p2, p0  }
0x20: {  	[sflag:s8] =	ssyncset.s32 @!p0 $0xFFFFF086;
	s6 =	sadd.s32 @!p0 s3, s7;
	s7 =	simm.s32 @!p0 $0x108  }
0x21: {  	s3 =	sadd.s32 s3, s9;
	s6 =	sadd.s32 @!p0 $0x88, s6;
	s7 =	simm.s32 @p2 $0x1082  }
0x22: {  	[simem:s7], [sflag:s8] =	dma.local @!p0 [hbm:s6], $0xF7A  }
0x23: {  	s9 =	sor.u32 $0xD0000000, s2;
	s6 =	simm.s32 $0x108;
	_ =	swait.ge @!p0 [sflag:s8], $0x0  }
0x24: {  	s3 =	sadd.s32 $0x88, s3;
	s6 =	simm.s32 @!p1 $0x1082;
	[sflag:s4] =	ssyncset.s32 $0xFFFFF086  }
0x25: {  	[simem:s6], [sflag:s4] =	dma.local [hbm:s3], $0xF7A  }
0x26: {  	[smem:$0x3F9F] =	sst s1;
	(tag) =	ssettag s2;
	_ =	strace s9  }
0x27: {  	s1 =	sld [smem:$0x3FAF]  }
0x28: {  	s2 =	sld [smem:$0x3FB0]  }
0x29: {  	s4 =	sld [smem:$0x3FB2]  }
0x2a: {  	p0 =	seq.s32 s5, $0x0;
	s5 =	sld [smem:$0x3FB3]  }
0x2b: {  	s6 =	sld [smem:$0x3FB4]  }
0x2c: {  	s7 =	sld [smem:$0x3FB5]  }
0x2d: {  	s3 =	simm.s32 $0x108;
	s8 =	sld [smem:$0x3FB6]  }
0x2e: {  	s3 =	simm.s32 @!p0 $0x1082;
	s9 =	sld [smem:$0x3FB7]  }
0x2f: {  	lr =	sadd.s32 s0, s3;
	s0 =	sld [smem:$0x3FAE]  }
0x30: {  	s3 =	sld [smem:$0x3FB1]  }
0x31: {  	[smem:$0x3FBA] =	sst s10  }
0x32: {  	s10 =	sld [smem:$0x3FB8];
	_ =	sdelay $0x3  }
0x33: {  	p0 =	seq.s32 s10, $0x1;
	s10 =	sld [smem:$0x3FBA];
	_ =	sdelay $0x3  }
0x34: {  	[smem:$0x3FBA] =	sst s10  }
0x35: {  	s10 =	sld [smem:$0x3FB9];
	_ =	sdelay $0x3  }
0x36: {  	p1 =	seq.s32 s10, $0x1;
	s10 =	sld [smem:$0x3FBA];
	_ =	sdelay $0x3  }
0x37: {  	[smem:$0x3FBA] =	sst s10  }
0x38: {  	s10 =	sld [smem:$0x3FBB]  }
0x39: {  	_ = 	snop;
	(pc) =	sbr.ind lr, $3  }
0x3a: {  	_ = 	snop  }
0x3b: {  	_ = 	snop  }
0x3c: {  	p2 =	seq.s32 s10, $0x1;
	s10 =	sld [smem:$0x3FBA]  }
0x3d: {  	_ =	shalt  }
0x3e: {  	_ =	shalt  }
0x3f: {  	_ =	shalt  }
0x40: {  	_ =	shalt  }
0x41: {  	_ =	shalt  }
0x42: {  	_ =	shalt  }
0x43: {  	_ =	shalt  }
0x44: {  	_ =	shalt  }
0x45: {  	_ =	shalt  }
0x46: {  	_ =	shalt  }
0x47: {  	_ =	shalt  }
0x48: {  	_ =	shalt  }
0x49: {  	_ =	shalt  }
0x4a: {  	_ =	shalt  }
0x4b: {  	_ =	shalt  }
0x4c: {  	_ =	shalt  }
0x4d: {  	_ =	shalt  }
0x4e: {  	_ =	shalt  }
0x4f: {  	_ =	shalt  }
0x50: {  	_ =	shalt  }
0x51: {  	_ =	shalt  }
0x52: {  	_ =	shalt  }
0x53: {  	_ =	shalt  }
0x54: {  	_ =	shalt  }
0x55: {  	_ =	shalt  }
0x56: {  	_ =	shalt  }
0x57: {  	_ =	shalt  }
0x58: {  	_ =	shalt  }
0x59: {  	_ =	shalt  }
0x5a: {  	_ =	shalt  }
0x5b: {  	_ =	shalt  }
0x5c: {  	_ =	shalt  }
0x5d: {  	_ =	shalt  }
0x5e: {  	_ =	shalt  }
0x5f: {  	_ =	shalt  }
0x60: {  	_ =	shalt  }
0x61: {  	_ =	shalt  }
0x62: {  	_ =	shalt  }
0x63: {  	_ =	shalt  }
0x64: {  	_ =	shalt  }
0x65: {  	_ =	shalt  }
0x66: {  	_ =	shalt  }
0x67: {  	_ =	shalt  }
0x68: {  	_ =	shalt  }
0x69: {  	_ =	shalt  }
0x6a: {  	_ =	shalt  }
0x6b: {  	_ =	shalt  }
0x6c: {  	_ =	shalt  }
0x6d: {  	_ =	shalt  }
0x6e: {  	_ =	shalt  }
0x6f: {  	_ =	shalt  }
0x70: {  	_ =	shalt  }
0x71: {  	_ =	shalt  }
0x72: {  	_ =	shalt  }
0x73: {  	_ =	shalt  }
0x74: {  	_ =	shalt  }
0x75: {  	_ =	shalt  }
0x76: {  	_ =	shalt  }
0x77: {  	_ =	shalt  }
0x78: {  	_ =	shalt  }
0x79: {  	_ =	shalt  }
0x7a: {  	_ =	shalt  }
0x7b: {  	_ =	shalt  }
0x7c: {  	_ =	shalt  }
0x7d: {  	_ =	shalt  }
0x7e: {  	_ =	shalt  }
0x7f: {  	_ =	shalt  }
0x80: {  	_ =	shalt  }
0x81: {  	_ =	shalt  }
0x82: {  	_ =	shalt  }
0x83: {  	_ =	shalt  }
0x84: {  	_ =	shalt  }
0x85: {  	_ =	shalt  }
0x86: {  	_ =	shalt  }
0x87: {  	_ =	shalt  }
.Lfunc_end0:
.L_simem_size_0:
called_computation_lowered:
.L_overlay_start_0:
0x88: {  	s2 =	sld [smem:$0x3FD9]  }
0x89: {  	s3 =	sld [smem:$0x3FFE];
	_ =	sdelay $0x1  }
0x8a: {  	s1 =	srdreg.scid  }
0x8b: {  	s0 =	sand.u32 $0x1, s1  }
0x8c: {  	s18 =	sshll.u32 s0, $0xA;
	s2 =	sadd.s32 s3, s2  }
0x8d: {  	s2 =	sadd.s32 s2, s18  }
0x8e: {  	[smem:$0x3FC6] =	sst s2  }
0x8f: {  	_ = 	snop  }
0x90: {  	s2 =	sld [smem:$0x3FC9]  }
0x91: {  	s19 =	sld [smem:$0x3FC8]  }
0x92: {  	s4 =	sld [smem:$0x3FD0];
	(tm) =	ssettm $0x1  }
0x93: {  	s5 =	sld [smem:$0x3FFB];
	_ =	sdelay $0x3  }
0x94: {  	_ =	strace s5  }
0x95: {  	s5 =	sld [smem:$0x3FFC];
	_ =	sdelay $0x3  }
0x96: {  	_ =	strace s5  }
0x97: {  	s5 =	sld [smem:$0x3FFD];
	_ =	sdelay $0x3  }
0x98: {  	_ =	strace s5  }
0x99: {  	_ =	strace $0x8FFFFFFF  }
0x9a: {  	s20 =	sld [smem:$0x3FDB];
	_ =	sdelay $0x1  }
0x9b: {  	s6 =	simm.s32 $_scs_section_size  }
0x9c: {  	s7 =	simm.s32 $_size__tile_overlayer_lowered;
	s8 =	simm.s32 $_tile_overlayer_lowered  }
0x9d: {  	s23 =	simm.s32 $0x1BFF;
	s22 =	sshll.u32 s8, $0x1;
	s5 =	sadd.s32 s6, s20  }
0x9e: {  	s9 =	simm.s32 $0x0;
	s21 =	sshll.u32 s7, $0x1;
	s7 =	sadd.s32 s22, s5  }
0x9f: {  	[timem:s9], [sflag:s23] =	dma.local [hbm:s7], s21  }
0xa0: {  	_ =	swait.ge [sflag:s23], s21  }
0xa1: {  	s6 =	ssub.s32 $0x0, s21;
	[sflag:s23] =	ssyncset.done $0x0  }
0xa2: {  	[sflag:s23] =	ssyncadd.s32 s6;
	_ =	sdelay $0x1  }
0xa3: {  	s24 =	simm.s32 $0x1B8B  }
0xa4: {  	_ =	swait.ge [sflag:s24], $0x1  }
0xa5: {  	[sflag:s24] =	ssyncset.done $0x0  }
0xa6: {  	s25 =	simm.s32 $0x1B8E;
	[sflag:s24] =	ssyncadd.s32 $0xFFFFFFFF  }
0xa7: {  	s26 =	simm.s32 $execute0_lowered;
	[smem:$0x3FD2] =	sst s25  }
0xa8: {  	s6 =	sshll.u32 s26, $0x1;
	_ =	strace $0x80000046;
	[dreg:$0x1] =	wrdreg $0xFFFFFFFF  }
0xa9: {  	s28 =	simm.s32 $_size_execute0_lowered;
	s5 =	sadd.s32 s5, s6;
	[dreg:$0x0] =	wrdreg $0x0  }
0xaa: {  	s6 =	sshll.u32 s28, $0x1;
	[dreg:$0x2] =	wrdreg s5  }
0xab: {  	[dreg:$0x3] =	wrdreg s6  }
0xac: {  	[dreg:$0x4] =	wrdreg $0xC0  }
0xad: {  	_ =	task [dreg:s9], $0x5FFFF  }
0xae: {  	[dreg:$0x1] =	wrdreg $0xFFFFFFFF  }
0xaf: {  	[dreg:$0x0] =	wrdreg $0x60  }
0xb0: {  	[dreg:$0x2] =	wrdreg s2  }
0xb1: {  	[dreg:$0x3] =	wrdreg s19  }
0xb2: {  	[dreg:$0x4] =	wrdreg s4  }
0xb3: {  	[dreg:$0x5] =	wrdreg $0x9  }
0xb4: {  	_ =	task.clear_ibuf [dreg:s9], $0x6FFFF;
	_ =	strace $0x90000046  }
0xb5: {  	s29 =	simm.s32 $0x9;
	_ =	strace $0x80000048  }
0xb6: {  	_ =	swait.ge [sflag:s29], $0x1  }
0xb7: {  	[sflag:s29] =	ssyncadd.s32 $0xFFFFFFFF  }
0xb8: {  	_ =	strace $0x90000048  }
0xb9: {  	_ =	sfence  }
0xba: {  	s30 =	sld [smem:$0x0];
	_ =	sdelay $0x2  }
0xbb: {  	s31 =	sshll.u32 s1, $0xD;
	s1 =	sshrl.u32 s1, $0x2  }
0xbc: {  	s3 =	sand.u32 $0x4000, s31;
	s1 =	sadd.s32 s1, s30  }
0xbd: {  	s0 =	sor.u32 s3, s0;
	s1 =	sshll.u32 s1, $0x11  }
0xbe: {  	s0 =	sor.u32 s1, s0  }
0xbf: {  	s0 =	sadd.s32 $0x8F2B, s0  }
0xc0: {  	[sflag:s0] =	ssyncadd.remote.s32 $0x1  }
0xc1: {  	_ =	sfence.sel $0xFFFF  }
0xc2: {  	[dreg:$0x0] =	wrdreg $0xFFFFFFFF;
	(pc) =	sbr.abs _section_cstart, $3  }
0xc3: {  	[dreg:$0x1] =	wrdreg $0xFFFFFFFF  }
0xc4: {  	_ =	task.clear_ibuf [dreg:s9], $0x2FFFF;
	_ =	strace $0x9FFFFFFF  }
0xc5: {  	(tm) =	ssettm $0x7FFFFFFF  }
tec
execute0_lowered:
.L_overlay_start_1:
0x0: {  	(tag) =	ssettag $0x1  }
0x1: {  	s4 =	rddreg [dreg:$0x0]  }
0x2: {  	s1 =	rddreg [dreg:$0x1]  }
0x3: {  	s5 =	rddreg [dreg:$0x2]  }
0x4: {  	s0 =	rddreg [dreg:$0x3];
	s6 =	srdreg.scid  }
0x5: {  	s3 =	simm.s32 $0x0;
	s2 =	stileid.u32;
	s10 =	simm.s32 $0x2  }
0x6: {  	s11 =	simm.s32 $0x0;
	s6 =	sand.u32 $0x1, s6;
	[smem:$0x7FF] =	sst s3  }
0x7: {  	s8 =	sshll.u32 s2, $0x9;
	s7 =	sshll.u32 s6, $0xD;
	s6 =	ssub.s32 $0x2, s6  }
0x8: {  	_ =	strace $0x80000047;
	s7 =	sor.u32 s8, s7;
	s31 =	sshrl.u32 s6, $0x1  }
0x9: {  	s8 =	simm.s32 $0x3;
	s9 =	sshrl.u32 s7, $0x3;
	s7 =	sshll.u32 s7, $0x4  }
0xa: {  	s6 =	ssub.s32 s6, s31;
	s4 =	sadd.s32 s4, s9;
	s5 =	sadd.s32 s5, s7  }
0xb: {  	s6 =	smax.u32 s6, $0x1;
	s7 =	simm.s32 $0x12800;
	s9 =	simm.s32 $0x1  }
.LBB2_1:
0xc: {  	[tilespmem:s3], [sflag:$0x1] =	stream.linear.gather [hbm4b:s1+s3], $0x2480, $0x38;
	[tilespmem:$0x12A80] =	vst v63  }
0xd: {  	_ = 	snop  }
0xe: {  	[tilespmem:s7], [sflag:$0x3] =	stream.linear.gather [hbm4b:s4+s3], $0x200, $0x38;
	[tilespmem:$0x12A80] =	vst v63  }
0xf: {  	_ =	swait.ge [sflag:s8], $0x200  }
0x10: {  	[sflag:s8] =	ssyncset.done $0x0  }
0x11: {  	[sflag:s8] =	ssyncadd.s32 $0xFFFFFE00  }
0x12: {  	_ =	swait.ge [sflag:s9], $0x2480  }
0x13: {  	[sflag:s9] =	ssyncset.done $0x0  }
0x14: {  	s12 =	simm.s32 $0x0;
	[sflag:s9] =	ssyncadd.s32 $0xFFFFDB80  }
0x15: {  	s13 =	simm.s32 $0x40;
	v0 =	vld [tilespmem:s12+$0x12800]  }
.LBB2_2:
0x16: {  	_ =	sdelay $0x1  }
0x17: {  	p0 =	sne.s32 s13, $0x7C0  }
.Ltmp0:
0x18: {  	_ = 	snop;
	(pc) =	sbr.rel @p0 .LBB2_2-.Ltmp0, $4  }
0x19: {  	vm0 =	vgt.s32 v0, $0x0  }
0x1a: {  	v1 =	vnsel vm0, $0x0, v0  }
0x1b: {  	s14 =	sshra.s32 s13, $0x2;
	v1 =	vmin.u32 v1, $0x48  }
0x1c: {  	s13 =	sadd.s32 $0x40, s13;
	v0 =	vld [tilespmem:s14+$0x12800];
	[tilespmem:s12+$0x12800] =	vst v1;
	s12 =	smov.u32 s14  }
0x1d: {  	_ =	sdelay $0x3  }
0x1e: {  	vm0 =	vgt.s32 v0, $0x0  }
0x1f: {  	v0 =	vnsel vm0, $0x0, v0  }
0x20: {  	v0 =	vmin.u32 v0, $0x48  }
0x21: {  	s13 =	simm.s32 $0x12804;
	s14 =	simm.s32 $0x2A00;
	[tilespmem:s12+$0x12800] =	vst v0;
	s12 =	simm.s32 $0x0  }
.LBB2_4:
0x22: {  	v0 =	vld [tilespmem:s13+$0x3]  }
0x23: {  	v1 =	vld [tilespmem:s13+$0xFFFFFFFD]  }
0x24: {  	v2 =	vld [tilespmem:s13+$0xFFFFFFFE]  }
0x25: {  	v3 =	vld [tilespmem:s13+$0xFFFFFFFF]  }
0x26: {  	v4 =	vld [tilespmem:s13+$0x0]  }
0x27: {  	v5 =	vld [tilespmem:s13+$0x1];
	(v2sf) =	vpush v0, $0x0  }
0x28: {  	v0 =	vld [tilespmem:s13+$0x2];
	(v2sf) =	vpush v1, $0x0  }
0x29: {  	v1 =	vld [tilespmem:s13+$0xFFFFFFFC];
	(v2sf) =	vpush v2, $0x0  }
0x2a: {  	(v2sf) =	vpush v3, $0x0  }
0x2b: {  	(v2sf) =	vpush v4, $0x0  }
0x2c: {  	(v2sf) =	vpush v5, $0x0  }
0x2d: {  	(v2sf) =	vpush v0, $0x0  }
0x2e: {  	(v2sf) =	vpush v1, $0x0;
	_ =	sdelay $0x7  }
0x2f: {  	s15 =	spop (v2sf)  }
0x30: {  	s15 =	sshll.u32 s15, $0x9;
	s16 =	spop (v2sf)  }
0x31: {  	s22 =	sshra.s32 s15, $0x2;
	s26 =	spop (v2sf)  }
0x32: {  	s16 =	sshll.u32 s16, $0x9;
	v0 =	vld [tilespmem:s22+$0x0];
	s18 =	spop (v2sf)  }
0x33: {  	s16 =	sshra.s32 s16, $0x2;
	s15 =	sshll.u32 s26, $0x9;
	s19 =	spop (v2sf)  }
0x34: {  	v1 =	vld [tilespmem:s16+$0x0];
	s17 =	sshra.s32 s15, $0x2;
	s28 =	sshll.u32 s18, $0x9;
	s20 =	spop (v2sf)  }
0x35: {  	v2 =	vld [tilespmem:s17+$0x0];
	s18 =	sshra.s32 s28, $0x2;
	s29 =	sshll.u32 s19, $0x9;
	s23 =	spop (v2sf)  }
0x36: {  	v3 =	vld [tilespmem:s18+$0x0];
	s19 =	sshra.s32 s29, $0x2;
	s30 =	spop (v2sf)  }
0x37: {  	v4 =	vld [tilespmem:s19+$0x0];
	s15 =	sshll.u32 s30, $0x9;
	[tilespmem:s14+$0x180] =	vst v0  }
0x38: {  	s20 =	sshll.u32 s20, $0x9;
	s21 =	sshra.s32 s15, $0x2;
	v0 =	vld [tilespmem:s22+$0x10]  }
0x39: {  	s31 =	sshll.u32 s23, $0x9;
	s20 =	sshra.s32 s20, $0x2;
	[tilespmem:s14+$0xFFFFFE80] =	vst v1;
	v1 =	vld [tilespmem:s21+$0x0]  }
0x3a: {  	s15 =	sshra.s32 s31, $0x2;
	[tilespmem:s14+$0xFFFFFF00] =	vst v2;
	v2 =	vld [tilespmem:s20+$0x0]  }
0x3b: {  	[tilespmem:s14+$0xFFFFFF80] =	vst v3;
	v3 =	vld [tilespmem:s15+$0x0]  }
0x3c: {  	v5 =	vld [tilespmem:s17+$0x10];
	[tilespmem:s14+$0x0] =	vst v4  }
0x3d: {  	v4 =	vld [tilespmem:s16+$0x10];
	[tilespmem:s14+$0x190] =	vst v0  }
0x3e: {  	[tilespmem:s14+$0xFFFFFE00] =	vst v1;
	v0 =	vld [tilespmem:s22+$0x20]  }
0x3f: {  	[tilespmem:s14+$0x80] =	vst v2;
	v2 =	vld [tilespmem:s18+$0x10]  }
0x40: {  	v1 =	vld [tilespmem:s21+$0x10];
	[tilespmem:s14+$0x100] =	vst v3  }
0x41: {  	v3 =	vld [tilespmem:s19+$0x10];
	[tilespmem:s14+$0xFFFFFF10] =	vst v5  }
0x42: {  	[tilespmem:s14+$0xFFFFFE90] =	vst v4;
	v4 =	vld [tilespmem:s20+$0x10]  }
0x43: {  	v5 =	vld [tilespmem:s15+$0x10];
	[tilespmem:s14+$0x1A0] =	vst v0  }
0x44: {  	[tilespmem:s14+$0xFFFFFF90] =	vst v2;
	v2 =	vld [tilespmem:s16+$0x20]  }
0x45: {  	[tilespmem:s14+$0xFFFFFE10] =	vst v1;
	v0 =	vld [tilespmem:s22+$0x30]  }
0x46: {  	[tilespmem:s14+$0x10] =	vst v3;
	v3 =	vld [tilespmem:s17+$0x20]  }
0x47: {  	v1 =	vld [tilespmem:s21+$0x20];
	[tilespmem:s14+$0x90] =	vst v4  }
0x48: {  	v4 =	vld [tilespmem:s18+$0x20];
	[tilespmem:s14+$0x110] =	vst v5  }
0x49: {  	v5 =	vld [tilespmem:s19+$0x20];
	[tilespmem:s14+$0xFFFFFEA0] =	vst v2  }
0x4a: {  	v2 =	vld [tilespmem:s15+$0x20];
	[tilespmem:s14+$0x1B0] =	vst v0  }
0x4b: {  	[tilespmem:s14+$0xFFFFFF20] =	vst v3;
	v0 =	vld [tilespmem:s22+$0x40]  }
0x4c: {  	[tilespmem:s14+$0xFFFFFE20] =	vst v1;
	v1 =	vld [tilespmem:s20+$0x20]  }
0x4d: {  	[tilespmem:s14+$0xFFFFFFA0] =	vst v4;
	v4 =	vld [tilespmem:s16+$0x30]  }
0x4e: {  	[tilespmem:s14+$0x20] =	vst v5;
	v5 =	vld [tilespmem:s17+$0x30]  }
0x4f: {  	v3 =	vld [tilespmem:s21+$0x30];
	[tilespmem:s14+$0x120] =	vst v2  }
0x50: {  	v2 =	vld [tilespmem:s19+$0x30];
	[tilespmem:s14+$0x1C0] =	vst v0  }
0x51: {  	[tilespmem:s14+$0xA0] =	vst v1;
	v0 =	vld [tilespmem:s22+$0x50]  }
0x52: {  	v1 =	vld [tilespmem:s18+$0x30];
	[tilespmem:s14+$0xFFFFFEB0] =	vst v4  }
0x53: {  	[tilespmem:s14+$0xFFFFFF30] =	vst v5;
	v4 =	vld [tilespmem:s15+$0x30]  }
0x54: {  	[tilespmem:s14+$0xFFFFFE30] =	vst v3;
	v3 =	vld [tilespmem:s20+$0x30]  }
0x55: {  	v5 =	vld [tilespmem:s21+$0x40];
	[tilespmem:s14+$0x30] =	vst v2  }
0x56: {  	v2 =	vld [tilespmem:s17+$0x40];
	[tilespmem:s14+$0x1D0] =	vst v0  }
0x57: {  	[tilespmem:s14+$0xFFFFFFB0] =	vst v1;
	v0 =	vld [tilespmem:s22+$0x60]  }
0x58: {  	v1 =	vld [tilespmem:s16+$0x40];
	[tilespmem:s14+$0x130] =	vst v4  }
0x59: {  	v4 =	vld [tilespmem:s19+$0x40];
	[tilespmem:s14+$0xB0] =	vst v3  }
0x5a: {  	v6 =	vld [tilespmem:s18+$0x40];
	[tilespmem:s14+$0xFFFFFE40] =	vst v5  }
0x5b: {  	v8 =	vld [tilespmem:s15+$0x40];
	[tilespmem:s14+$0xFFFFFF40] =	vst v2  }
0x5c: {  	v5 =	vld [tilespmem:s20+$0x40];
	[tilespmem:s14+$0x1E0] =	vst v0  }
0x5d: {  	[tilespmem:s14+$0xFFFFFEC0] =	vst v1;
	v7 =	vld [tilespmem:s22+$0x70]  }
0x5e: {  	v3 =	vld [tilespmem:s21+$0x50];
	[tilespmem:s14+$0x40] =	vst v4  }
0x5f: {  	[tilespmem:s14+$0xFFFFFFC0] =	vst v6;
	v0 =	vld [tilespmem:s16+$0x50]  }
0x60: {  	v1 =	vld [tilespmem:s17+$0x50];
	[tilespmem:s14+$0x140] =	vst v8  }
0x61: {  	s24 =	simm.s32 $0x0;
	[tilespmem:s14+$0xC0] =	vst v5;
	v2 =	vld [tilespmem:s18+$0x50]  }
0x62: {  	s25 =	sadd.s32 $0x8, s13;
	s23 =	smov.u32 s14;
	v4 =	vld [tilespmem:s19+$0x50];
	s22 =	smov.u32 s14;
	[tilespmem:s14+$0x1F0] =	vst v7  }
.LBB2_5:
0x63: {  	v5 =	vld [tilespmem:s25+$0x3];
	s24 =	sadd.s32 $0x8, s24;
	[tilespmem:s23+$0xFFFFFE50] =	vst v3  }
0x64: {  	v3 =	vld [tilespmem:s25+$0xFFFFFFFD];
	p0 =	slt.u32 s24, $0x78;
	[tilespmem:s23+$0xFFFFFED0] =	vst v0  }
0x65: {  	v0 =	vld [tilespmem:s25+$0xFFFFFFFE];
	[tilespmem:s23+$0xFFFFFF50] =	vst v1  }
0x66: {  	v1 =	vld [tilespmem:s25+$0xFFFFFFFF];
	[tilespmem:s23+$0xFFFFFFD0] =	vst v2  }
0x67: {  	v2 =	vld [tilespmem:s25+$0x0];
	[tilespmem:s23+$0x50] =	vst v4  }
0x68: {  	v4 =	vld [tilespmem:s25+$0x1];
	(v2sf) =	vpush v5, $0x0  }
0x69: {  	v5 =	vld [tilespmem:s25+$0x2];
	(v2sf) =	vpush v3, $0x0  }
0x6a: {  	v3 =	vld [tilespmem:s25+$0xFFFFFFFC];
	(v2sf) =	vpush v0, $0x0  }
0x6b: {  	(v2sf) =	vpush v1, $0x0;
	v0 =	vld [tilespmem:s20+$0x50]  }
0x6c: {  	(v2sf) =	vpush v2, $0x0;
	v1 =	vld [tilespmem:s15+$0x50]  }
0x6d: {  	(v2sf) =	vpush v4, $0x0;
	v2 =	vld [tilespmem:s21+$0x60]  }
0x6e: {  	(v2sf) =	vpush v5, $0x0;
	v4 =	vld [tilespmem:s16+$0x60]  }
0x6f: {  	(v2sf) =	vpush v3, $0x0;
	v3 =	vld [tilespmem:s17+$0x60]  }
0x70: {  	v5 =	vld [tilespmem:s18+$0x60];
	[tilespmem:s23+$0xD0] =	vst v0  }
0x71: {  	v0 =	vld [tilespmem:s19+$0x60];
	[tilespmem:s23+$0x150] =	vst v1  }
0x72: {  	[tilespmem:s23+$0xFFFFFE60] =	vst v2;
	v1 =	vld [tilespmem:s20+$0x60]  }
0x73: {  	[tilespmem:s23+$0xFFFFFEE0] =	vst v4;
	v2 =	vld [tilespmem:s15+$0x60]  }
0x74: {  	v4 =	vld [tilespmem:s21+$0x70];
	[tilespmem:s23+$0xFFFFFF60] =	vst v3  }
0x75: {  	v3 =	vld [tilespmem:s16+$0x70];
	[tilespmem:s23+$0xFFFFFFE0] =	vst v5  }
0x76: {  	v5 =	vld [tilespmem:s17+$0x70];
	[tilespmem:s23+$0x60] =	vst v0  }
0x77: {  	s16 =	spop (v2sf);
	v0 =	vld [tilespmem:s18+$0x70];
	[tilespmem:s23+$0xE0] =	vst v1  }
0x78: {  	s16 =	sshll.u32 s16, $0x9;
	s17 =	spop (v2sf);
	v1 =	vld [tilespmem:s19+$0x70];
	[tilespmem:s23+$0x160] =	vst v2  }
0x79: {  	s17 =	sshll.u32 s17, $0x9;
	s26 =	sshra.s32 s16, $0x2;
	s18 =	spop (v2sf);
	[tilespmem:s23+$0xFFFFFE70] =	vst v4;
	v2 =	vld [tilespmem:s20+$0x70]  }
0x7a: {  	s16 =	sshra.s32 s17, $0x2;
	s17 =	sshll.u32 s18, $0x9;
	v4 =	vld [tilespmem:s26+$0x0];
	s18 =	spop (v2sf);
	[tilespmem:s23+$0xFFFFFEF0] =	vst v3  }
0x7b: {  	v3 =	vld [tilespmem:s16+$0x0];
	s17 =	sshra.s32 s17, $0x2;
	s18 =	sshll.u32 s18, $0x9;
	s19 =	spop (v2sf);
	[tilespmem:s23+$0xFFFFFF70] =	vst v5  }
0x7c: {  	v5 =	vld [tilespmem:s17+$0x0];
	s18 =	sshra.s32 s18, $0x2;
	s19 =	sshll.u32 s19, $0x9;
	s20 =	spop (v2sf);
	[tilespmem:s23+$0xFFFFFFF0] =	vst v0  }
0x7d: {  	v0 =	vld [tilespmem:s18+$0x0];
	s19 =	sshra.s32 s19, $0x2;
	s20 =	sshll.u32 s20, $0x9;
	s21 =	spop (v2sf);
	[tilespmem:s23+$0x70] =	vst v1  }
0x7e: {  	s23 =	sadd.s32 $0x400, s23;
	v1 =	vld [tilespmem:s19+$0x0];
	s21 =	sshll.u32 s21, $0x9;
	s28 =	spop (v2sf);
	[tilespmem:s22+$0xF0] =	vst v2  }
0x7f: {  	s20 =	sshra.s32 s20, $0x2;
	s28 =	sshll.u32 s28, $0x9;
	[tilespmem:s23+$0x180] =	vst v4;
	v2 =	vld [tilespmem:s15+$0x70];
	s15 =	sshra.s32 s21, $0x2  }
0x80: {  	s21 =	sshra.s32 s28, $0x2;
	[tilespmem:s23+$0xFFFFFE80] =	vst v3;
	v3 =	vld [tilespmem:s26+$0x10]  }
0x81: {  	v4 =	vld [tilespmem:s21+$0x0];
	[tilespmem:s23+$0xFFFFFF00] =	vst v5  }
0x82: {  	[tilespmem:s23+$0xFFFFFF80] =	vst v0;
	v0 =	vld [tilespmem:s20+$0x0]  }
0x83: {  	[tilespmem:s23+$0x0] =	vst v1;
	v1 =	vld [tilespmem:s15+$0x0]  }
0x84: {  	v5 =	vld [tilespmem:s16+$0x10];
	[tilespmem:s22+$0x170] =	vst v2;
	s22 =	smov.u32 s23  }
0x85: {  	v2 =	vld [tilespmem:s17+$0x10];
	[tilespmem:s23+$0x190] =	vst v3  }
0x86: {  	[tilespmem:s23+$0xFFFFFE00] =	vst v4;
	v3 =	vld [tilespmem:s26+$0x20]  }
0x87: {  	v4 =	vld [tilespmem:s21+$0x10];
	[tilespmem:s23+$0x80] =	vst v0  }
0x88: {  	v0 =	vld [tilespmem:s18+$0x10];
	[tilespmem:s23+$0x100] =	vst v1  }
0x89: {  	[tilespmem:s23+$0xFFFFFE90] =	vst v5;
	v1 =	vld [tilespmem:s19+$0x10]  }
0x8a: {  	[tilespmem:s23+$0xFFFFFF10] =	vst v2;
	v2 =	vld [tilespmem:s20+$0x10]  }
0x8b: {  	v5 =	vld [tilespmem:s15+$0x10];
	[tilespmem:s23+$0x1A0] =	vst v3  }
0x8c: {  	[tilespmem:s23+$0xFFFFFE10] =	vst v4;
	v3 =	vld [tilespmem:s26+$0x30]  }
0x8d: {  	v4 =	vld [tilespmem:s21+$0x20];
	[tilespmem:s23+$0xFFFFFF90] =	vst v0  }
0x8e: {  	v0 =	vld [tilespmem:s16+$0x20];
	[tilespmem:s23+$0x10] =	vst v1  }
0x8f: {  	v1 =	vld [tilespmem:s17+$0x20];
	[tilespmem:s23+$0x90] =	vst v2  }
0x90: {  	v2 =	vld [tilespmem:s18+$0x20];
	[tilespmem:s23+$0x110] =	vst v5  }
0x91: {  	v5 =	vld [tilespmem:s19+$0x20];
	[tilespmem:s23+$0x1B0] =	vst v3  }
0x92: {  	[tilespmem:s23+$0xFFFFFE20] =	vst v4;
	v3 =	vld [tilespmem:s26+$0x40]  }
0x93: {  	[tilespmem:s23+$0xFFFFFEA0] =	vst v0;
	v0 =	vld [tilespmem:s20+$0x20]  }
0x94: {  	[tilespmem:s23+$0xFFFFFF20] =	vst v1;
	v1 =	vld [tilespmem:s15+$0x20]  }
0x95: {  	v4 =	vld [tilespmem:s21+$0x30];
	[tilespmem:s23+$0xFFFFFFA0] =	vst v2  }
0x96: {  	v2 =	vld [tilespmem:s16+$0x30];
	[tilespmem:s23+$0x20] =	vst v5  }
0x97: {  	v5 =	vld [tilespmem:s17+$0x30];
	[tilespmem:s23+$0x1C0] =	vst v3  }
0x98: {  	[tilespmem:s23+$0xA0] =	vst v0;
	v0 =	vld [tilespmem:s26+$0x50]  }
0x99: {  	v3 =	vld [tilespmem:s18+$0x30];
	[tilespmem:s23+$0x120] =	vst v1  }
0x9a: {  	[tilespmem:s23+$0xFFFFFE30] =	vst v4;
	v1 =	vld [tilespmem:s19+$0x30]  }
0x9b: {  	[tilespmem:s23+$0xFFFFFEB0] =	vst v2;
	v2 =	vld [tilespmem:s20+$0x30]  }
0x9c: {  	[tilespmem:s23+$0xFFFFFF30] =	vst v5;
	v4 =	vld [tilespmem:s15+$0x30]  }
0x9d: {  	v5 =	vld [tilespmem:s21+$0x40];
	[tilespmem:s23+$0x1D0] =	vst v0  }
0x9e: {  	[tilespmem:s23+$0xFFFFFFB0] =	vst v3;
	v0 =	vld [tilespmem:s26+$0x60]  }
0x9f: {  	v3 =	vld [tilespmem:s16+$0x40];
	[tilespmem:s23+$0x30] =	vst v1  }
0xa0: {  	v1 =	vld [tilespmem:s17+$0x40];
	[tilespmem:s23+$0xB0] =	vst v2  }
0xa1: {  	v2 =	vld [tilespmem:s18+$0x40];
	[tilespmem:s23+$0x130] =	vst v4  }
0xa2: {  	[tilespmem:s23+$0xFFFFFE40] =	vst v5;
	v4 =	vld [tilespmem:s19+$0x40]  }
0xa3: {  	v5 =	vld [tilespmem:s20+$0x40];
	[tilespmem:s23+$0x1E0] =	vst v0  }
0xa4: {  	[tilespmem:s23+$0xFFFFFEC0] =	vst v3;
	v6 =	vld [tilespmem:s26+$0x70]  }
0xa5: {  	[tilespmem:s23+$0xFFFFFF40] =	vst v1;
	v7 =	vld [tilespmem:s15+$0x40]  }
.Ltmp1:
0xa6: {  	v3 =	vld [tilespmem:s21+$0x50];
	[tilespmem:s23+$0xFFFFFFC0] =	vst v2;
	(pc) =	sbr.rel @p0 .LBB2_5-.Ltmp1, $4  }
0xa7: {  	v0 =	vld [tilespmem:s16+$0x50];
	[tilespmem:s23+$0x40] =	vst v4  }
0xa8: {  	v1 =	vld [tilespmem:s17+$0x50];
	[tilespmem:s23+$0xC0] =	vst v5  }
0xa9: {  	v2 =	vld [tilespmem:s18+$0x50];
	[tilespmem:s23+$0x1F0] =	vst v6  }
0xaa: {  	s25 =	sadd.s32 $0x8, s25;
	v4 =	vld [tilespmem:s19+$0x50];
	[tilespmem:s23+$0x140] =	vst v7  }
0xab: {  	[tilespmem:s23+$0xFFFFFE50] =	vst v3;
	v49 =	vld [tilespmem:s20+$0x50]  }
0xac: {  	v50 =	vld [tilespmem:s15+$0x50];
	[tilespmem:s23+$0xFFFFFED0] =	vst v0  }
0xad: {  	v51 =	vld [tilespmem:s21+$0x60];
	[tilespmem:s23+$0xFFFFFF50] =	vst v1  }
0xae: {  	v52 =	vld [tilespmem:s16+$0x60];
	[tilespmem:s23+$0xFFFFFFD0] =	vst v2  }
0xaf: {  	v53 =	vld [tilespmem:s17+$0x60];
	[tilespmem:s23+$0x50] =	vst v4  }
0xb0: {  	v5 =	vld [tilespmem:s18+$0x60];
	[tilespmem:s23+$0xD0] =	vst v49  }
0xb1: {  	v54 =	vld [tilespmem:s19+$0x60];
	[tilespmem:s23+$0x150] =	vst v50  }
0xb2: {  	[tilespmem:s23+$0xFFFFFE60] =	vst v51;
	v55 =	vld [tilespmem:s20+$0x60]  }
0xb3: {  	v56 =	vld [tilespmem:s15+$0x60];
	[tilespmem:s23+$0xFFFFFEE0] =	vst v52  }
0xb4: {  	v57 =	vld [tilespmem:s21+$0x70];
	[tilespmem:s23+$0xFFFFFF60] =	vst v53  }
0xb5: {  	v58 =	vld [tilespmem:s16+$0x70];
	[tilespmem:s23+$0xFFFFFFE0] =	vst v5  }
0xb6: {  	v59 =	vld [tilespmem:s17+$0x70];
	[tilespmem:s23+$0x60] =	vst v54  }
0xb7: {  	v60 =	vld [tilespmem:s18+$0x70];
	[tilespmem:s23+$0xE0] =	vst v55  }
0xb8: {  	v61 =	vld [tilespmem:s19+$0x70];
	[tilespmem:s23+$0x160] =	vst v56  }
0xb9: {  	[tilespmem:s23+$0xFFFFFE70] =	vst v57;
	v62 =	vld [tilespmem:s20+$0x70]  }
0xba: {  	s30 =	sshll.u32 s12, $0xE;
	s31 =	sshll.u32 s12, $0xB;
	s12 =	sadd.s32 $0x1, s12;
	v63 =	vld [tilespmem:s15+$0x70];
	[tilespmem:s23+$0xFFFFFEF0] =	vst v58  }
0xbb: {  	p0 =	sne.s32 s12, $0x4;
	[tilespmem:s23+$0xFFFFFF70] =	vst v59  }
.Ltmp2:
0xbc: {  	[tilespmem:s23+$0xFFFFFFF0] =	vst v60;
	(pc) =	sbr.rel @p0 .LBB2_4-.Ltmp2, $4  }
0xbd: {  	[tilespmem:s23+$0x70] =	vst v61  }
0xbe: {  	s13 =	sadd.s32 $0x80, s13;
	s15 =	sand.u32 $0x3FFFC000, s30;
	[tilespmem:s22+$0xF0] =	vst v62  }
0xbf: {  	s14 =	sadd.s32 $0x4000, s14;
	s16 =	sadd.s32 s31, s5;
	s15 =	sor.u32 $0x2800, s15;
	[tilespmem:s22+$0x170] =	vst v63  }
0xc0: {  	[hbm4b:s16+s3] =	stream.linear.scatter [tilespmem:s15], [sflag:$0x2], $0x4000, $0x38;
	[tilespmem:$0x12A80] =	vst v63  }
0xc1: {  	s11 =	sadd.s32 $0x1, s11  }
0xc2: {  	p0 =	sne.s32 s11, s6  }
.Ltmp3:
0xc3: {  	_ = 	snop;
	(pc) =	sbr.rel @p0 .LBB2_1-.Ltmp3, $4  }
0xc4: {  	_ = 	snop  }
0xc5: {  	_ =	swait.ge [sflag:s10], $0x10000  }
0xc6: {  	[sflag:s10] =	ssyncset.done $0x0  }
0xc7: {  	[sflag:s10] =	ssyncadd.s32 $0xFFFF0000  }
0xc8: {  	_ =	sfence.sel $0x180000  }
0xc9: {  	[bflag:$0x0] =	sbarrier.arrive $0xFFFF  }
0xca: {  	p0 =	sne.s32 s2, $0x0;
	_ =	strace $0x90000047  }
0xcb: {  	s0 =	sadd.s32 @!p0 $0x100000, s0;
	[bflag:$0x2] =	sbarrier.arrive $0xFFFF  }
0xcc: {  	[sflag:s0] =	ssyncadd.tile.s32 @!p0 $0x1;
	_ =	shalt  }
.Lfunc_end2:
_tile_overlayer_lowered:
.L_overlay_start_2:
0xcd: {  	(tag) =	ssettag $0x2  }
0xce: {  	s0 =	rddreg [dreg:$0x0];
	s2 =	stileid.u32  }
0xcf: {  	s1 =	rddreg [dreg:$0x1];
	p0 =	sne.s32 s2, $0x0  }
0xd0: {  	s3 =	rddreg [dreg:$0x2];
	[bflag:$0x3] =	sbarrier.arrive $0xFFFF;
	s2 =	simm.s32 @!p0 $0x1C03  }
0xd1: {  	[timem:s3], [sflag:s2] =	dma.local @!p0 [hbm:s0], s1  }
0xd2: {  	s0 =	simm.s32 @!p0 $0x3  }
0xd3: {  	_ =	swait.ge @!p0 [sflag:s0], s1  }
0xd4: {  	s1 =	ssub.s32 @!p0 $0x0, s1;
	[sflag:s0] =	ssyncset.done @!p0 $0x0  }
0xd5: {  	[sflag:s0] =	ssyncadd.s32 @!p0 s1  }
0xd6: {  	[bflag:$0x3] =	sbarrier.arrive $0xFFFF  }
0xd7: {  	_ =	shalt  }

</sc_bundles>
